<compile_context>
chip_gen: v7x
topology: tpu7x:2x2x1
jax: 0.10.2.dev20260603
libtpu: 0.0.44.dev20260713+nightly
codegen_flags: <defaults>
</compile_context>

<pallas_src>
import functools

import jax
import jax.numpy as jnp
from jax import lax
from jax.experimental import pallas as pl
from jax.experimental.pallas import tpu as pltpu
from jax.experimental.pallas import tpu_sc as plsc

DIM = 256
K = 1024
ROWS_PER_BLOCK = 512
SC_ROWS = 3072


def _argmin_rows(xb, et, en):
    scores = jax.lax.dot_general(
        xb, et, (((1,), (0,)), ((), ())),
        preferred_element_type=jnp.float32,
        precision=jax.lax.Precision.DEFAULT,
    )
    xn = jnp.sum(xb * xb, axis=1, keepdims=True)
    q = xn - 2.0 * scores + en
    return jnp.argmin(q, axis=-1).astype(jnp.int32)


def _idx_body(xb_ref, et_ref, idx_ref, en_ref):
    @pl.when(pl.program_id(0) == 0)
    def _():
        et0 = et_ref[...]
        en_ref[...] = jnp.sum(et0 * et0, axis=0, keepdims=True)

    idx_ref[...] = _argmin_rows(xb_ref[...], et_ref[...], en_ref[...])


def _idx_dequant_body(xb_ref, et_ref, e_ref, out_ref, en_ref):
    @pl.when(pl.program_id(0) == 0)
    def _():
        et0 = et_ref[...]
        en_ref[...] = jnp.sum(et0 * et0, axis=0, keepdims=True)

    idx = _argmin_rows(xb_ref[...], et_ref[...], en_ref[...])
    lane = lax.broadcasted_iota(jnp.int32, (idx.shape[0], K), 1)
    onehot = jnp.where(lane == idx[:, None], 1.0, 0.0).astype(jnp.bfloat16)
    out_ref[...] = jax.lax.dot_general(
        onehot, e_ref[...].astype(jnp.bfloat16), (((1,), (0,)), ((), ())),
        preferred_element_type=jnp.float32,
        precision=jax.lax.Precision.DEFAULT,
    )


def _tc_indices(xf, embed_t, row0, rows):
    blocks = rows // ROWS_PER_BLOCK
    b0 = row0 // ROWS_PER_BLOCK
    return pl.pallas_call(
        _idx_body,
        grid=(blocks,),
        in_specs=[
            pl.BlockSpec((ROWS_PER_BLOCK, DIM), lambda i: (b0 + i, 0)),
            pl.BlockSpec((DIM, K), lambda i: (0, 0)),
        ],
        out_specs=pl.BlockSpec((ROWS_PER_BLOCK,), lambda i: (i,)),
        out_shape=jax.ShapeDtypeStruct((rows,), jnp.int32),
        scratch_shapes=[pltpu.VMEM((1, K), jnp.float32)],
    )(xf, embed_t)


def _tc_dequant(xf, embed_t, embed, row0, n):
    blocks = (n - row0) // ROWS_PER_BLOCK
    b0 = row0 // ROWS_PER_BLOCK
    return pl.pallas_call(
        _idx_dequant_body,
        grid=(blocks,),
        in_specs=[
            pl.BlockSpec((ROWS_PER_BLOCK, DIM), lambda i: (b0 + i, 0)),
            pl.BlockSpec((DIM, K), lambda i: (0, 0)),
            pl.BlockSpec((K, DIM), lambda i: (0, 0)),
        ],
        out_specs=pl.BlockSpec((ROWS_PER_BLOCK, DIM), lambda i: (b0 + i, 0)),
        out_shape=jax.ShapeDtypeStruct((n, DIM), jnp.float32),
        scratch_shapes=[pltpu.VMEM((1, K), jnp.float32)],
    )(xf, embed_t, embed)


def _sc_gather(table, idx, rows):
    info = plsc.get_sparse_core_info()
    nc, ns = info.num_cores, info.num_subcores
    nw = nc * ns
    b_per_w = rows // nw
    n_sub = -(-b_per_w // 96)
    sub = b_per_w // n_sub
    mesh = plsc.VectorSubcoreMesh(core_axis_name="c", subcore_axis_name="s")

    @functools.partial(
        pl.kernel,
        mesh=mesh,
        out_type=jax.ShapeDtypeStruct((rows, DIM), jnp.float32),
        scratch_types=[
            pltpu.VMEM((b_per_w,), jnp.int32),
            pltpu.VMEM((n_sub, sub, DIM), jnp.float32),
            pltpu.SemaphoreType.DMA,
            pltpu.SemaphoreType.DMA,
        ],
    )
    def gather_kernel(table_hbm, idx_hbm, out_hbm, idx_v, rows_v, gsem, wsem):
        wid = lax.axis_index("s") * nc + lax.axis_index("c")
        base = wid * b_per_w
        pltpu.sync_copy(idx_hbm.at[pl.ds(base, b_per_w)], idx_v)
        gathers = [
            pltpu.async_copy(
                table_hbm.at[idx_v.at[pl.ds(j * sub, sub)]],
                rows_v.at[j], gsem)
            for j in range(n_sub)
        ]
        writes = []
        for j in range(n_sub):
            gathers[j].wait()
            writes.append(pltpu.async_copy(
                rows_v.at[j],
                out_hbm.at[pl.ds(base + j * sub, sub)], wsem))
        for w in writes:
            w.wait()

    return gather_kernel(table, idx)


def kernel(x, embed):
    shape = x.shape
    xf = x.reshape(-1, shape[-1])
    embed_t = embed.T
    n = xf.shape[0]
    idx_sc = _tc_indices(xf, embed_t, 0, SC_ROWS)
    full = _tc_dequant(xf, embed_t, embed, SC_ROWS, n)
    out_sc = _sc_gather(embed, idx_sc, SC_ROWS)
    out = lax.dynamic_update_slice(full, out_sc, (0, 0))
    return out.reshape(shape)

# --- scband reference (transcript-rebuilt; emitter-appended) ---
"""Pipeline reference for scband-euclidean-codebook-15255723835629 (READ-ONLY COPY).

The authoritative reference and input builder live on the scoring server;
editing this copy changes nothing except your own understanding.
"""

import jax, jax.numpy as jnp
import numpy as np

DIM = 256
CODEBOOK_SIZE = 1024

def setup_inputs(seed: int = 0) -> dict:
    key = jax.random.key(seed)
    k1, k2 = jax.random.split(key)
    x = jax.random.normal(k1, (16, 576, DIM), dtype=jnp.float32)
    # learned codebook buffer (initialized random instead of zeros to avoid degenerate argmax)
    embed = jax.random.normal(k2, (CODEBOOK_SIZE, DIM), dtype=jnp.float32)
    return {"x": x, "embed": embed}

def reference(x, embed):
    # encode: preprocess -> quantize -> postprocess
    shape = x.shape
    xf = x.reshape(-1, shape[-1])  # (..., d) -> (N, d)
    embed_t = embed.T.astype(xf.dtype)  # (d, K)
    dist = -(jnp.sum(xf ** 2, axis=1, keepdims=True)
             - 2.0 * (xf @ embed_t)
             + jnp.sum(embed_t ** 2, axis=0, keepdims=True))
    embed_ind = jnp.argmax(dist, axis=-1)
    embed_ind = embed_ind.reshape(shape[:-1])
    # decode: dequantize via embedding gather
    quantize = jnp.take(embed, embed_ind, axis=0)
    return quantize

if __name__ == "__main__":
    import jax
    _d = setup_inputs()
    print(jax.jit(kernel)(*tuple(_d.values())))

</pallas_src>

<mosaic_0001>
#map = affine_map<(d0, d1) -> (0, 0)>
#map1 = affine_map<(d0, d1) -> (0)>
module attributes {stable_mosaic.version = 14 : i64} {
  func.func @gather_kernel(%arg0: i32, %arg1: i32, %arg2: memref<1024x256xf32, #tpu.memory_space<hbm>>, %arg3: memref<3072xi32, #tpu.memory_space<hbm>>, %arg4: memref<3072x256xf32, #tpu.memory_space<hbm>>, %arg5: memref<96xi32, #tpu.memory_space<vmem>>, %arg6: memref<1x96x256xf32, #tpu.memory_space<vmem>>, %arg7: memref<!tpu.dma_semaphore, #tpu.memory_space<semaphore_mem>>, %arg8: memref<!tpu.dma_semaphore, #tpu.memory_space<semaphore_mem>>) attributes {dimension_semantics = [#tpu.dimension_semantics<core_parallel>, #tpu.dimension_semantics<subcore_parallel>], iteration_bounds = array<i64: 2, 16>, scalar_prefetch = 0 : i64, scratch_operands = 4 : i64, tpu.core_type = #tpu.core_type<sc_vector_subcore>, window_params = [{transform_indices = #map}, {transform_indices = #map1}, {transform_indices = #map}]} {
    %mul3A = arith.constant 2 : i32
    %mul3A_0 = arith.muli %arg1, %mul3A : i32
    %add3A = arith.addi %mul3A_0, %arg0 : i32
    %mul3A_1 = arith.constant 96 : i32
    %mul3A_2 = arith.muli %add3A, %mul3A_1 : i32
    "tpu.region"() ({
      %run_scoped3A = tpu.sem_alloc : memref<!tpu.dma_semaphore, #tpu.memory_space<semaphore_mem>>
      %dma_start3A_49 = tpu.memref_slice %arg3[%mul3A_2] : memref<3072xi32, #tpu.memory_space<hbm>> -> memref<96xi32, #tpu.memory_space<hbm>>
      %dma_start3A_50 = tpu.memref_slice %arg3[%mul3A_2] : memref<3072xi32, #tpu.memory_space<hbm>> -> memref<96xi32, #tpu.memory_space<hbm>>
      tpu.enqueue_dma source(%dma_start3A_50 : memref<96xi32, #tpu.memory_space<hbm>>) target(%arg5 : memref<96xi32, #tpu.memory_space<vmem>>) target_semaphore(%run_scoped3A : memref<!tpu.dma_semaphore, #tpu.memory_space<semaphore_mem>>)
      %dma_wait3A_51 = tpu.memref_slice %arg3[%mul3A_2] : memref<3072xi32, #tpu.memory_space<hbm>> -> memref<96xi32, #tpu.memory_space<hbm>>
      %dma_wait3A_52 = tpu.memref_slice %arg3[%mul3A_2] : memref<3072xi32, #tpu.memory_space<hbm>> -> memref<96xi32, #tpu.memory_space<hbm>>
      tpu.wait_dma2 semaphore(%run_scoped3A : memref<!tpu.dma_semaphore, #tpu.memory_space<semaphore_mem>>) src(%dma_wait3A_52 : memref<96xi32, #tpu.memory_space<hbm>>) dst(%arg5 : memref<96xi32, #tpu.memory_space<vmem>>)
      tpu.yield
    }) : () -> ()
    %dma_start3A = arith.constant 0 : i32
    %dma_start3A_3 = arith.constant 0 : i32
    %dma_start3A_4 = arith.constant 0 : i32
    %dma_start3A_5 = tpu.memref_slice %arg6[%dma_start3A, %dma_start3A_3, %dma_start3A_4] : memref<1x96x256xf32, #tpu.memory_space<vmem>> -> memref<1x96x256xf32, #tpu.memory_space<vmem>>
    %dma_start3A_6 = tpu.memref_squeeze %dma_start3A_5 : memref<1x96x256xf32, #tpu.memory_space<vmem>> -> memref<96x256xf32, #tpu.memory_space<vmem>>
    %dma_start3A_7 = arith.constant 0 : i32
    %dma_start3A_8 = tpu.memref_slice %arg5[%dma_start3A_7] : memref<96xi32, #tpu.memory_space<vmem>> -> memref<96xi32, #tpu.memory_space<vmem>>
    %dma_start3A_9 = arith.constant 0 : i32
    %dma_start3A_10 = arith.constant 0 : i32
    %dma_start3A_11 = tpu.memref_slice %arg2[%dma_start3A_9, %dma_start3A_10] : memref<1024x256xf32, #tpu.memory_space<hbm>> -> memref<1024x256xf32, #tpu.memory_space<hbm>>
    tpu.enqueue_indirect_dma source(%dma_start3A_11 : memref<1024x256xf32, #tpu.memory_space<hbm>>) target(%dma_start3A_6 : memref<96x256xf32, #tpu.memory_space<vmem>>) offsets(%dma_start3A_8 : memref<96xi32, #tpu.memory_space<vmem>>) semaphore(%arg7 : memref<!tpu.dma_semaphore, #tpu.memory_space<semaphore_mem>>)
    %dma_wait3A = arith.constant 0 : i32
    %dma_wait3A_12 = arith.constant 0 : i32
    %dma_wait3A_13 = arith.constant 0 : i32
    %dma_wait3A_14 = tpu.memref_slice %arg6[%dma_wait3A, %dma_wait3A_12, %dma_wait3A_13] : memref<1x96x256xf32, #tpu.memory_space<vmem>> -> memref<1x96x256xf32, #tpu.memory_space<vmem>>
    %dma_wait3A_15 = tpu.memref_squeeze %dma_wait3A_14 : memref<1x96x256xf32, #tpu.memory_space<vmem>> -> memref<96x256xf32, #tpu.memory_space<vmem>>
    %dma_wait3A_16 = arith.constant 0 : i32
    %dma_wait3A_17 = tpu.memref_slice %arg5[%dma_wait3A_16] : memref<96xi32, #tpu.memory_space<vmem>> -> memref<96xi32, #tpu.memory_space<vmem>>
    %dma_wait3A_18 = arith.constant 0 : i32
    %dma_wait3A_19 = arith.constant 0 : i32
    %dma_wait3A_20 = tpu.memref_slice %arg2[%dma_wait3A_18, %dma_wait3A_19] : memref<1024x256xf32, #tpu.memory_space<hbm>> -> memref<1024x256xf32, #tpu.memory_space<hbm>>
    tpu.wait_indirect_dma semaphore(%arg7 : memref<!tpu.dma_semaphore, #tpu.memory_space<semaphore_mem>>) src(%dma_wait3A_20 : memref<1024x256xf32, #tpu.memory_space<hbm>>) dst(%dma_wait3A_15 : memref<96x256xf32, #tpu.memory_space<vmem>>)
    %add3A_21 = arith.constant 0 : i32
    %add3A_22 = arith.addi %mul3A_2, %add3A_21 : i32
    %dma_start3A_23 = arith.constant 0 : i32
    %dma_start3A_24 = arith.constant 0 : i32
    %dma_start3A_25 = arith.constant 0 : i32
    %dma_start3A_26 = tpu.memref_slice %arg6[%dma_start3A_23, %dma_start3A_24, %dma_start3A_25] : memref<1x96x256xf32, #tpu.memory_space<vmem>> -> memref<1x96x256xf32, #tpu.memory_space<vmem>>
    %dma_start3A_27 = tpu.memref_squeeze %dma_start3A_26 : memref<1x96x256xf32, #tpu.memory_space<vmem>> -> memref<96x256xf32, #tpu.memory_space<vmem>>
    %dma_start3A_28 = arith.constant 0 : i32
    %dma_start3A_29 = tpu.memref_slice %arg4[%add3A_22, %dma_start3A_28] : memref<3072x256xf32, #tpu.memory_space<hbm>> -> memref<96x256xf32, #tpu.memory_space<hbm>>
    %dma_start3A_30 = arith.constant 0 : i32
    %dma_start3A_31 = tpu.memref_slice %arg4[%add3A_22, %dma_start3A_30] : memref<3072x256xf32, #tpu.memory_space<hbm>> -> memref<96x256xf32, #tpu.memory_space<hbm>>
    %dma_start3A_32 = arith.constant 0 : i32
    %dma_start3A_33 = arith.constant 0 : i32
    %dma_start3A_34 = tpu.memref_slice %arg6[%dma_start3A_23, %dma_start3A_32, %dma_start3A_33] : memref<1x96x256xf32, #tpu.memory_space<vmem>> -> memref<1x96x256xf32, #tpu.memory_space<vmem>>
    %dma_start3A_35 = tpu.memref_squeeze %dma_start3A_34 : memref<1x96x256xf32, #tpu.memory_space<vmem>> -> memref<96x256xf32, #tpu.memory_space<vmem>>
    tpu.enqueue_dma source(%dma_start3A_35 : memref<96x256xf32, #tpu.memory_space<vmem>>) target(%dma_start3A_31 : memref<96x256xf32, #tpu.memory_space<hbm>>) target_semaphore(%arg8 : memref<!tpu.dma_semaphore, #tpu.memory_space<semaphore_mem>>)
    %dma_wait3A_36 = arith.constant 0 : i32
    %dma_wait3A_37 = arith.constant 0 : i32
    %dma_wait3A_38 = arith.constant 0 : i32
    %dma_wait3A_39 = tpu.memref_slice %arg6[%dma_wait3A_36, %dma_wait3A_37, %dma_wait3A_38] : memref<1x96x256xf32, #tpu.memory_space<vmem>> -> memref<1x96x256xf32, #tpu.memory_space<vmem>>
    %dma_wait3A_40 = tpu.memref_squeeze %dma_wait3A_39 : memref<1x96x256xf32, #tpu.memory_space<vmem>> -> memref<96x256xf32, #tpu.memory_space<vmem>>
    %dma_wait3A_41 = arith.constant 0 : i32
    %dma_wait3A_42 = tpu.memref_slice %arg4[%add3A_22, %dma_wait3A_41] : memref<3072x256xf32, #tpu.memory_space<hbm>> -> memref<96x256xf32, #tpu.memory_space<hbm>>
    %dma_wait3A_43 = arith.constant 0 : i32
    %dma_wait3A_44 = tpu.memref_slice %arg4[%add3A_22, %dma_wait3A_43] : memref<3072x256xf32, #tpu.memory_space<hbm>> -> memref<96x256xf32, #tpu.memory_space<hbm>>
    %dma_wait3A_45 = arith.constant 0 : i32
    %dma_wait3A_46 = arith.constant 0 : i32
    %dma_wait3A_47 = tpu.memref_slice %arg6[%dma_wait3A_36, %dma_wait3A_45, %dma_wait3A_46] : memref<1x96x256xf32, #tpu.memory_space<vmem>> -> memref<1x96x256xf32, #tpu.memory_space<vmem>>
    %dma_wait3A_48 = tpu.memref_squeeze %dma_wait3A_47 : memref<1x96x256xf32, #tpu.memory_space<vmem>> -> memref<96x256xf32, #tpu.memory_space<vmem>>
    tpu.wait_dma2 semaphore(%arg8 : memref<!tpu.dma_semaphore, #tpu.memory_space<semaphore_mem>>) src(%dma_wait3A_48 : memref<96x256xf32, #tpu.memory_space<vmem>>) dst(%dma_wait3A_44 : memref<96x256xf32, #tpu.memory_space<hbm>>)
    return
  }
}

module attributes {stable_mosaic.version = 14 : i64} {
  func.func @_idx_body(%arg0: i32, %arg1: memref<512x256xf32, #tpu.memory_space<vmem>>, %arg2: memref<256x1024xf32, #tpu.memory_space<vmem>>, %arg3: memref<512xi32, #tpu.memory_space<vmem>>, %arg4: memref<1x1024xf32, #tpu.memory_space<vmem>>) attributes {dimension_semantics = [#tpu.dimension_semantics<arbitrary>], iteration_bounds = array<i64: 6>, scalar_prefetch = 0 : i64, scratch_operands = 1 : i64, tpu.core_type = #tpu.core_type<tc>, window_params = [{transform_indices = @transform_0, window_bounds = array<i64: 512, 256>}, {pipeline_mode = #tpu.pipeline_mode<synchronous>, transform_indices = @transform_1, window_bounds = array<i64: 256, 1024>}, {transform_indices = @transform_2, window_bounds = array<i64: 512>}]} {
    %eq3A = arith.constant 0 : i32
    %eq3A_0 = arith.cmpi eq, %arg0, %eq3A : i32
    %convert_element_type3A = arith.extui %eq3A_0 : i1 to i32
    %cond3A = arith.constant 0 : i32
    %cond3A_1 = arith.cmpi ne, %convert_element_type3A, %cond3A : i32
    scf.if %cond3A_1 {
      %get3A_18 = arith.constant 0 : index
      %get3A_19 = arith.constant 0 : index
      %get3A_20 = vector.load %arg2[%get3A_18, %get3A_19] : memref<256x1024xf32, #tpu.memory_space<vmem>>, vector<256x1024xf32>
      %mul3A_21 = arith.mulf %get3A_20, %get3A_20 : vector<256x1024xf32>
      %reduce_sum3A_22 = arith.constant dense<0.000000e+00> : vector<1024xf32>
      %reduce_sum3A_23 = vector.multi_reduction <add>, %mul3A_21, %reduce_sum3A_22 [0] : vector<256x1024xf32> to vector<1024xf32>
      %broadcast_in_dim3A_24 = vector.shape_cast %reduce_sum3A_23 : vector<1024xf32> to vector<1x1024xf32>
      %swap3A_25 = arith.constant 0 : index
      %swap3A_26 = arith.constant 0 : index
      %swap3A_27 = vector.load %arg4[%swap3A_25, %swap3A_26] : memref<1x1024xf32, #tpu.memory_space<vmem>>, vector<1x1024xf32>
      tpu.vector_store %arg4[%swap3A_25, %swap3A_26], %broadcast_in_dim3A_24 {strides = array<i32>} : memref<1x1024xf32, #tpu.memory_space<vmem>>, vector<1x1024xf32>,
    } else {
    }
    %get3A = arith.constant 0 : index
    %get3A_2 = arith.constant 0 : index
    %get3A_3 = vector.load %arg1[%get3A, %get3A_2] : memref<512x256xf32, #tpu.memory_space<vmem>>, vector<512x256xf32>
    %get3A_4 = arith.constant 0 : index
    %get3A_5 = arith.constant 0 : index
    %get3A_6 = vector.load %arg2[%get3A_4, %get3A_5] : memref<256x1024xf32, #tpu.memory_space<vmem>>, vector<256x1024xf32>
    %get3A_7 = arith.constant 0 : index
    %get3A_8 = arith.constant 0 : index
    %get3A_9 = vector.load %arg4[%get3A_7, %get3A_8] : memref<1x1024xf32, #tpu.memory_space<vmem>>, vector<1x1024xf32>
    %dot_general3A = arith.constant dense<0.000000e+00> : vector<512x1024xf32>
    %dot_general3A_10 = tpu.matmul %get3A_3, %get3A_6, %dot_general3A {dimension_numbers = #tpu.dot_dimension_numbers<[1], [0], [0], [1], [0, 0, 1, 1], [], []>, transpose_lhs_hint = false} : vector<512x256xf32>, vector<256x1024xf32>, vector<512x1024xf32> -> vector<512x1024xf32>
    %mul3A = arith.mulf %get3A_3, %get3A_3 : vector<512x256xf32>
    %reduce_sum3A = arith.constant dense<0.000000e+00> : vector<512xf32>
    %reduce_sum3A_11 = vector.multi_reduction <add>, %mul3A, %reduce_sum3A [1] : vector<512x256xf32> to vector<512xf32>
    %broadcast_in_dim3A = vector.shape_cast %reduce_sum3A_11 : vector<512xf32> to vector<512x1xf32>
    %mul3A_12 = arith.constant 2.000000e+00 : f32
    %mul3A_13 = vector.broadcast %mul3A_12 : f32 to vector<512x1024xf32>
    %mul3A_14 = arith.mulf %mul3A_13, %dot_general3A_10 : vector<512x1024xf32>
    %sub3A = vector.broadcast %broadcast_in_dim3A : vector<512x1xf32> to vector<512x1024xf32>
    %sub3A_15 = arith.subf %sub3A, %mul3A_14 : vector<512x1024xf32>
    %add3A = vector.broadcast %get3A_9 : vector<1x1024xf32> to vector<512x1024xf32>
    %add3A_16 = arith.addf %sub3A_15, %add3A : vector<512x1024xf32>
    %argmin3A = tpu.reduce_index %add3A_16 {axis = 1 : i32, kind = #tpu.reduction_kind<arg_min>} : vector<512x1024xf32> -> vector<512xi32>
    %swap3A = arith.constant 0 : index
    %swap3A_17 = vector.load %arg3[%swap3A] : memref<512xi32, #tpu.memory_space<vmem>>, vector<512xi32>
    tpu.vector_store %arg3[%swap3A], %argmin3A {strides = array<i32>} : memref<512xi32, #tpu.memory_space<vmem>>, vector<512xi32>,
    return
  }
  func.func @transform_0(%arg0: i32) -> (i32, i32) {
    %add3A = arith.constant 0 : i32
    %add3A_0 = arith.addi %add3A, %arg0 : i32
    %c0_i32 = arith.constant 0 : i32
    %c0_i32_1 = arith.constant 0 : i32
    return %add3A_0, %c0_i32 : i32, i32
  }
  func.func @transform_1(%arg0: i32) -> (i32, i32) {
    %c0_i32 = arith.constant 0 : i32
    %c0_i32_0 = arith.constant 0 : i32
    %c0_i32_1 = arith.constant 0 : i32
    return %c0_i32, %c0_i32_0 : i32, i32
  }
  func.func @transform_2(%arg0: i32) -> i32 {
    %c0_i32 = arith.constant 0 : i32
    return %arg0 : i32
  }
}

module attributes {stable_mosaic.version = 14 : i64} {
  func.func @_idx_dequant_body(%arg0: i32, %arg1: memref<512x256xf32, #tpu.memory_space<vmem>>, %arg2: memref<256x1024xf32, #tpu.memory_space<vmem>>, %arg3: memref<1024x256xf32, #tpu.memory_space<vmem>>, %arg4: memref<512x256xf32, #tpu.memory_space<vmem>>, %arg5: memref<1x1024xf32, #tpu.memory_space<vmem>>) attributes {dimension_semantics = [#tpu.dimension_semantics<arbitrary>], iteration_bounds = array<i64: 12>, scalar_prefetch = 0 : i64, scratch_operands = 1 : i64, tpu.core_type = #tpu.core_type<tc>, window_params = [{transform_indices = @transform_0, window_bounds = array<i64: 512, 256>}, {pipeline_mode = #tpu.pipeline_mode<synchronous>, transform_indices = @transform_1, window_bounds = array<i64: 256, 1024>}, {pipeline_mode = #tpu.pipeline_mode<synchronous>, transform_indices = @transform_2, window_bounds = array<i64: 1024, 256>}, {transform_indices = @transform_3, window_bounds = array<i64: 512, 256>}]} {
    %eq3A = arith.constant 0 : i32
    %eq3A_0 = arith.cmpi eq, %arg0, %eq3A : i32
    %convert_element_type3A = arith.extui %eq3A_0 : i1 to i32
    %cond3A = arith.constant 0 : i32
    %cond3A_1 = arith.cmpi ne, %convert_element_type3A, %cond3A : i32
    scf.if %cond3A_1 {
      %get3A_32 = arith.constant 0 : index
      %get3A_33 = arith.constant 0 : index
      %get3A_34 = vector.load %arg2[%get3A_32, %get3A_33] : memref<256x1024xf32, #tpu.memory_space<vmem>>, vector<256x1024xf32>
      %mul3A_35 = arith.mulf %get3A_34, %get3A_34 : vector<256x1024xf32>
      %reduce_sum3A_36 = arith.constant dense<0.000000e+00> : vector<1024xf32>
      %reduce_sum3A_37 = vector.multi_reduction <add>, %mul3A_35, %reduce_sum3A_36 [0] : vector<256x1024xf32> to vector<1024xf32>
      %broadcast_in_dim3A_38 = vector.shape_cast %reduce_sum3A_37 : vector<1024xf32> to vector<1x1024xf32>
      %swap3A_39 = arith.constant 0 : index
      %swap3A_40 = arith.constant 0 : index
      %swap3A_41 = vector.load %arg5[%swap3A_39, %swap3A_40] : memref<1x1024xf32, #tpu.memory_space<vmem>>, vector<1x1024xf32>
      tpu.vector_store %arg5[%swap3A_39, %swap3A_40], %broadcast_in_dim3A_38 {strides = array<i32>} : memref<1x1024xf32, #tpu.memory_space<vmem>>, vector<1x1024xf32>,
    } else {
    }
    %get3A = arith.constant 0 : index
    %get3A_2 = arith.constant 0 : index
    %get3A_3 = vector.load %arg1[%get3A, %get3A_2] : memref<512x256xf32, #tpu.memory_space<vmem>>, vector<512x256xf32>
    %get3A_4 = arith.constant 0 : index
    %get3A_5 = arith.constant 0 : index
    %get3A_6 = vector.load %arg2[%get3A_4, %get3A_5] : memref<256x1024xf32, #tpu.memory_space<vmem>>, vector<256x1024xf32>
    %get3A_7 = arith.constant 0 : index
    %get3A_8 = arith.constant 0 : index
    %get3A_9 = vector.load %arg5[%get3A_7, %get3A_8] : memref<1x1024xf32, #tpu.memory_space<vmem>>, vector<1x1024xf32>
    %dot_general3A = arith.constant dense<0.000000e+00> : vector<512x1024xf32>
    %dot_general3A_10 = tpu.matmul %get3A_3, %get3A_6, %dot_general3A {dimension_numbers = #tpu.dot_dimension_numbers<[1], [0], [0], [1], [0, 0, 1, 1], [], []>, transpose_lhs_hint = false} : vector<512x256xf32>, vector<256x1024xf32>, vector<512x1024xf32> -> vector<512x1024xf32>
    %mul3A = arith.mulf %get3A_3, %get3A_3 : vector<512x256xf32>
    %reduce_sum3A = arith.constant dense<0.000000e+00> : vector<512xf32>
    %reduce_sum3A_11 = vector.multi_reduction <add>, %mul3A, %reduce_sum3A [1] : vector<512x256xf32> to vector<512xf32>
    %broadcast_in_dim3A = vector.shape_cast %reduce_sum3A_11 : vector<512xf32> to vector<512x1xf32>
    %mul3A_12 = arith.constant 2.000000e+00 : f32
    %mul3A_13 = vector.broadcast %mul3A_12 : f32 to vector<512x1024xf32>
    %mul3A_14 = arith.mulf %mul3A_13, %dot_general3A_10 : vector<512x1024xf32>
    %sub3A = vector.broadcast %broadcast_in_dim3A : vector<512x1xf32> to vector<512x1024xf32>
    %sub3A_15 = arith.subf %sub3A, %mul3A_14 : vector<512x1024xf32>
    %add3A = vector.broadcast %get3A_9 : vector<1x1024xf32> to vector<512x1024xf32>
    %add3A_16 = arith.addf %sub3A_15, %add3A : vector<512x1024xf32>
    %argmin3A = tpu.reduce_index %add3A_16 {axis = 1 : i32, kind = #tpu.reduction_kind<arg_min>} : vector<512x1024xf32> -> vector<512xi32>
    %iota3A = tpu.iota {dimensions = array<i32: 1>} : vector<512x1024xi32>
    %broadcast_in_dim3A_17 = vector.shape_cast %argmin3A : vector<512xi32> to vector<512x1xi32>
    %eq3A_18 = vector.broadcast %broadcast_in_dim3A_17 : vector<512x1xi32> to vector<512x1024xi32>
    %eq3A_19 = arith.cmpi eq, %iota3A, %eq3A_18 : vector<512x1024xi32>
    %jit3A = arith.constant 1.000000e+00 : f32
    %jit3A_20 = arith.constant 0.000000e+00 : f32
    %broadcast_in_dim3A_21 = vector.broadcast %jit3A : f32 to vector<512x1024xf32>
    %broadcast_in_dim3A_22 = vector.broadcast %jit3A_20 : f32 to vector<512x1024xf32>
    %select_n3A = arith.select %eq3A_19, %broadcast_in_dim3A_21, %broadcast_in_dim3A_22 : vector<512x1024xi1>, vector<512x1024xf32>
    %convert_element_type3A_23 = arith.truncf %select_n3A : vector<512x1024xf32> to vector<512x1024xbf16>
    %get3A_24 = arith.constant 0 : index
    %get3A_25 = arith.constant 0 : index
    %get3A_26 = vector.load %arg3[%get3A_24, %get3A_25] : memref<1024x256xf32, #tpu.memory_space<vmem>>, vector<1024x256xf32>
    %convert_element_type3A_27 = arith.truncf %get3A_26 : vector<1024x256xf32> to vector<1024x256xbf16>
    %dot_general3A_28 = arith.constant dense<0.000000e+00> : vector<512x256xf32>
    %dot_general3A_29 = tpu.matmul %convert_element_type3A_23, %convert_element_type3A_27, %dot_general3A_28 {dimension_numbers = #tpu.dot_dimension_numbers<[1], [0], [0], [1], [0, 0, 1, 1], [], []>, transpose_lhs_hint = false} : vector<512x1024xbf16>, vector<1024x256xbf16>, vector<512x256xf32> -> vector<512x256xf32>
    %swap3A = arith.constant 0 : index
    %swap3A_30 = arith.constant 0 : index
    %swap3A_31 = vector.load %arg4[%swap3A, %swap3A_30] : memref<512x256xf32, #tpu.memory_space<vmem>>, vector<512x256xf32>
    tpu.vector_store %arg4[%swap3A, %swap3A_30], %dot_general3A_29 {strides = array<i32>} : memref<512x256xf32, #tpu.memory_space<vmem>>, vector<512x256xf32>,
    return
  }
  func.func @transform_0(%arg0: i32) -> (i32, i32) {
    %add3A = arith.constant 6 : i32
    %add3A_0 = arith.addi %add3A, %arg0 : i32
    %c0_i32 = arith.constant 0 : i32
    %c0_i32_1 = arith.constant 0 : i32
    return %add3A_0, %c0_i32 : i32, i32
  }
  func.func @transform_1(%arg0: i32) -> (i32, i32) {
    %c0_i32 = arith.constant 0 : i32
    %c0_i32_0 = arith.constant 0 : i32
    %c0_i32_1 = arith.constant 0 : i32
    return %c0_i32, %c0_i32_0 : i32, i32
  }
  func.func @transform_2(%arg0: i32) -> (i32, i32) {
    %c0_i32 = arith.constant 0 : i32
    %c0_i32_0 = arith.constant 0 : i32
    %c0_i32_1 = arith.constant 0 : i32
    return %c0_i32, %c0_i32_0 : i32, i32
  }
  func.func @transform_3(%arg0: i32) -> (i32, i32) {
    %add3A = arith.constant 6 : i32
    %add3A_0 = arith.addi %add3A, %arg0 : i32
    %c0_i32 = arith.constant 0 : i32
    %c0_i32_1 = arith.constant 0 : i32
    return %add3A_0, %c0_i32 : i32, i32
  }
}

</mosaic_0001>

<sc_bundles>
// kernel: kernel.5.cloned.1.call-start
scs
__scs_entry_jumppad:
0x0: {  	(pc) =	sbr.rel $0x88, $3  }
0x1: {  	(tag) =	ssettag $0x0;
	lr =	simm.s32 $0x1  }
0x2: {  	[smem:$0x3F9F] =	sst lr;
	_ =	strace $0xD0000000  }
0x3: {  	_ = 	snop  }
0x4: {  	_ = 	snop  }
0x5: {  	_ = 	snop  }
0x6: {  	_ = 	snop  }
0x7: {  	_ = 	snop  }
__scs_overlays_trampoline_lowered:
0x8: {  	[smem:$0x3FAE] =	sst s0  }
0x9: {  	[smem:$0x3FAF] =	sst s1  }
0xa: {  	[smem:$0x3FB0] =	sst s2  }
0xb: {  	[smem:$0x3FB1] =	sst s3  }
0xc: {  	[smem:$0x3FB2] =	sst s4  }
0xd: {  	[smem:$0x3FB3] =	sst s5  }
0xe: {  	[smem:$0x3FB4] =	sst s6  }
0xf: {  	[smem:$0x3FB5] =	sst s7  }
0x10: {  	[smem:$0x3FB6] =	sst s8  }
0x11: {  	[smem:$0x3FB7] =	sst s9;
	s0 =	simm.s32 @!p0 $0x0  }
0x12: {  	s1 =	sld [smem:$0x3F9D];
	s0 =	simm.s32 @p0 $0x1  }
0x13: {  	[smem:$0x3FB8] =	sst s0;
	s0 =	simm.s32 @!p1 $0x0  }
0x14: {  	s2 =	sld [smem:$0x3F9C];
	s0 =	simm.s32 @p1 $0x1  }
0x15: {  	[smem:$0x3FB9] =	sst s0;
	s0 =	simm.s32 @!p2 $0x0  }
0x16: {  	s3 =	sld [smem:$0x3FDB];
	s0 =	simm.s32 @p2 $0x1  }
0x17: {  	s4 =	simm.s32 $0x1BF5;
	[smem:$0x3FBB] =	sst s0  }
0x18: {  	s0 =	sld [smem:$0x3F9E];
	_ =	swait.ge [sflag:s4], $0x0  }
0x19: {  	s7 =	sld [smem:$0x3F9F]  }
0x1a: {  	s8 =	sadd.s32 $0xFFFFE003, lr  }
0x1b: {  	s9 =	sadd.s32 $0xFFFFFEF7, lr;
	s5 =	simm.s32 $0xFFFFFFFF;
	p2 =	slt.u32 s8, $0xFFFFF086  }
0x1c: {  	p1 =	slt.u32 s9, $0xF7A;
	s5 =	simm.s32 @!p2 $0x0  }
0x1d: {  	s5 =	simm.s32 @p1 $0x1;
	p0 =	seq.s32 s7, s2  }
0x1e: {  	s7 =	smul.u32 @!p0 $0xF7A, s2;
	p2 =	seq.s32 @!p0 s5, $0x0  }
0x1f: {  	s9 =	smul.u32 $0xF7A, s1;
	s8 =	simm.s32 @!p0 $0x1BF5;
	p2 =	por !p2, p0  }
0x20: {  	[sflag:s8] =	ssyncset.s32 @!p0 $0xFFFFF086;
	s6 =	sadd.s32 @!p0 s3, s7;
	s7 =	simm.s32 @!p0 $0x108  }
0x21: {  	s3 =	sadd.s32 s3, s9;
	s6 =	sadd.s32 @!p0 $0x88, s6;
	s7 =	simm.s32 @p2 $0x1082  }
0x22: {  	[simem:s7], [sflag:s8] =	dma.local @!p0 [hbm:s6], $0xF7A  }
0x23: {  	s9 =	sor.u32 $0xD0000000, s2;
	s6 =	simm.s32 $0x108;
	_ =	swait.ge @!p0 [sflag:s8], $0x0  }
0x24: {  	s3 =	sadd.s32 $0x88, s3;
	s6 =	simm.s32 @!p1 $0x1082;
	[sflag:s4] =	ssyncset.s32 $0xFFFFF086  }
0x25: {  	[simem:s6], [sflag:s4] =	dma.local [hbm:s3], $0xF7A  }
0x26: {  	[smem:$0x3F9F] =	sst s1;
	(tag) =	ssettag s2;
	_ =	strace s9  }
0x27: {  	s1 =	sld [smem:$0x3FAF]  }
0x28: {  	s2 =	sld [smem:$0x3FB0]  }
0x29: {  	s4 =	sld [smem:$0x3FB2]  }
0x2a: {  	p0 =	seq.s32 s5, $0x0;
	s5 =	sld [smem:$0x3FB3]  }
0x2b: {  	s6 =	sld [smem:$0x3FB4]  }
0x2c: {  	s7 =	sld [smem:$0x3FB5]  }
0x2d: {  	s3 =	simm.s32 $0x108;
	s8 =	sld [smem:$0x3FB6]  }
0x2e: {  	s3 =	simm.s32 @!p0 $0x1082;
	s9 =	sld [smem:$0x3FB7]  }
0x2f: {  	lr =	sadd.s32 s0, s3;
	s0 =	sld [smem:$0x3FAE]  }
0x30: {  	s3 =	sld [smem:$0x3FB1]  }
0x31: {  	[smem:$0x3FBA] =	sst s10  }
0x32: {  	s10 =	sld [smem:$0x3FB8];
	_ =	sdelay $0x3  }
0x33: {  	p0 =	seq.s32 s10, $0x1;
	s10 =	sld [smem:$0x3FBA];
	_ =	sdelay $0x3  }
0x34: {  	[smem:$0x3FBA] =	sst s10  }
0x35: {  	s10 =	sld [smem:$0x3FB9];
	_ =	sdelay $0x3  }
0x36: {  	p1 =	seq.s32 s10, $0x1;
	s10 =	sld [smem:$0x3FBA];
	_ =	sdelay $0x3  }
0x37: {  	[smem:$0x3FBA] =	sst s10  }
0x38: {  	s10 =	sld [smem:$0x3FBB]  }
0x39: {  	_ = 	snop;
	(pc) =	sbr.ind lr, $3  }
0x3a: {  	_ = 	snop  }
0x3b: {  	_ = 	snop  }
0x3c: {  	p2 =	seq.s32 s10, $0x1;
	s10 =	sld [smem:$0x3FBA]  }
0x3d: {  	_ =	shalt  }
0x3e: {  	_ =	shalt  }
0x3f: {  	_ =	shalt  }
0x40: {  	_ =	shalt  }
0x41: {  	_ =	shalt  }
0x42: {  	_ =	shalt  }
0x43: {  	_ =	shalt  }
0x44: {  	_ =	shalt  }
0x45: {  	_ =	shalt  }
0x46: {  	_ =	shalt  }
0x47: {  	_ =	shalt  }
0x48: {  	_ =	shalt  }
0x49: {  	_ =	shalt  }
0x4a: {  	_ =	shalt  }
0x4b: {  	_ =	shalt  }
0x4c: {  	_ =	shalt  }
0x4d: {  	_ =	shalt  }
0x4e: {  	_ =	shalt  }
0x4f: {  	_ =	shalt  }
0x50: {  	_ =	shalt  }
0x51: {  	_ =	shalt  }
0x52: {  	_ =	shalt  }
0x53: {  	_ =	shalt  }
0x54: {  	_ =	shalt  }
0x55: {  	_ =	shalt  }
0x56: {  	_ =	shalt  }
0x57: {  	_ =	shalt  }
0x58: {  	_ =	shalt  }
0x59: {  	_ =	shalt  }
0x5a: {  	_ =	shalt  }
0x5b: {  	_ =	shalt  }
0x5c: {  	_ =	shalt  }
0x5d: {  	_ =	shalt  }
0x5e: {  	_ =	shalt  }
0x5f: {  	_ =	shalt  }
0x60: {  	_ =	shalt  }
0x61: {  	_ =	shalt  }
0x62: {  	_ =	shalt  }
0x63: {  	_ =	shalt  }
0x64: {  	_ =	shalt  }
0x65: {  	_ =	shalt  }
0x66: {  	_ =	shalt  }
0x67: {  	_ =	shalt  }
0x68: {  	_ =	shalt  }
0x69: {  	_ =	shalt  }
0x6a: {  	_ =	shalt  }
0x6b: {  	_ =	shalt  }
0x6c: {  	_ =	shalt  }
0x6d: {  	_ =	shalt  }
0x6e: {  	_ =	shalt  }
0x6f: {  	_ =	shalt  }
0x70: {  	_ =	shalt  }
0x71: {  	_ =	shalt  }
0x72: {  	_ =	shalt  }
0x73: {  	_ =	shalt  }
0x74: {  	_ =	shalt  }
0x75: {  	_ =	shalt  }
0x76: {  	_ =	shalt  }
0x77: {  	_ =	shalt  }
0x78: {  	_ =	shalt  }
0x79: {  	_ =	shalt  }
0x7a: {  	_ =	shalt  }
0x7b: {  	_ =	shalt  }
0x7c: {  	_ =	shalt  }
0x7d: {  	_ =	shalt  }
0x7e: {  	_ =	shalt  }
0x7f: {  	_ =	shalt  }
0x80: {  	_ =	shalt  }
0x81: {  	_ =	shalt  }
0x82: {  	_ =	shalt  }
0x83: {  	_ =	shalt  }
0x84: {  	_ =	shalt  }
0x85: {  	_ =	shalt  }
0x86: {  	_ =	shalt  }
0x87: {  	_ =	shalt  }
.Lfunc_end0:
.L_simem_size_0:
called_computation_lowered:
.L_overlay_start_0:
0x88: {  	s2 =	sld [smem:$0x3FD9]  }
0x89: {  	s3 =	sld [smem:$0x3FFE];
	_ =	sdelay $0x1  }
0x8a: {  	s1 =	srdreg.scid  }
0x8b: {  	s0 =	sand.u32 $0x1, s1  }
0x8c: {  	s17 =	sshll.u32 s0, $0xA;
	s2 =	sadd.s32 s3, s2  }
0x8d: {  	s2 =	sadd.s32 s2, s17  }
0x8e: {  	[smem:$0x3FC6] =	sst s2  }
0x8f: {  	_ = 	snop  }
0x90: {  	s2 =	sld [smem:$0x3FC8];
	(tm) =	ssettm $0x1  }
0x91: {  	s18 =	sld [smem:$0x3FFB];
	_ =	sdelay $0x3  }
0x92: {  	_ =	strace s18  }
0x93: {  	s3 =	sld [smem:$0x3FFC];
	_ =	sdelay $0x3  }
0x94: {  	_ =	strace s3  }
0x95: {  	s3 =	sld [smem:$0x3FFD];
	_ =	sdelay $0x3  }
0x96: {  	_ =	strace s3  }
0x97: {  	_ =	strace $0x8FFFFFFF  }
0x98: {  	s19 =	sld [smem:$0x3FDB];
	_ =	sdelay $0x1  }
0x99: {  	s4 =	simm.s32 $_scs_section_size  }
0x9a: {  	s5 =	simm.s32 $_size__tile_overlayer_lowered;
	s6 =	simm.s32 $_tile_overlayer_lowered  }
0x9b: {  	s22 =	simm.s32 $0x1BFF;
	s21 =	sshll.u32 s6, $0x1;
	s3 =	sadd.s32 s4, s19  }
0x9c: {  	s7 =	simm.s32 $0x0;
	s20 =	sshll.u32 s5, $0x1;
	s5 =	sadd.s32 s21, s3  }
0x9d: {  	[timem:s7], [sflag:s22] =	dma.local [hbm:s5], s20  }
0x9e: {  	_ =	swait.ge [sflag:s22], s20  }
0x9f: {  	s4 =	ssub.s32 $0x0, s20;
	[sflag:s22] =	ssyncset.done $0x0  }
0xa0: {  	[sflag:s22] =	ssyncadd.s32 s4;
	_ =	sdelay $0x1  }
0xa1: {  	s23 =	simm.s32 $0x1B8B  }
0xa2: {  	_ =	swait.ge [sflag:s23], $0x1  }
0xa3: {  	[sflag:s23] =	ssyncset.done $0x0  }
0xa4: {  	s25 =	simm.s32 $0x1B8E;
	s24 =	sld [smem:$0x3FFE];
	[sflag:s23] =	ssyncadd.s32 $0xFFFFFFFF  }
0xa5: {  	s26 =	simm.s32 $execute0_lowered;
	[smem:$0x3FD2] =	sst s25  }
0xa6: {  	s5 =	sshll.u32 s26, $0x1;
	_ =	strace $0x80000046;
	[dreg:$0x1] =	wrdreg $0xFFFFFFFF  }
0xa7: {  	s28 =	simm.s32 $_size_execute0_lowered;
	s3 =	sadd.s32 s3, s5;
	[dreg:$0x0] =	wrdreg $0x0  }
0xa8: {  	s5 =	sshll.u32 s28, $0x1;
	[dreg:$0x2] =	wrdreg s3  }
0xa9: {  	[dreg:$0x3] =	wrdreg s5  }
0xaa: {  	[dreg:$0x4] =	wrdreg $0xC0  }
0xab: {  	_ =	task [dreg:s7], $0x5FFFF  }
0xac: {  	[dreg:$0x1] =	wrdreg $0xFFFFFFFF  }
0xad: {  	[dreg:$0x0] =	wrdreg $0x60  }
0xae: {  	[dreg:$0x2] =	wrdreg s2  }
0xaf: {  	[dreg:$0x3] =	wrdreg s24  }
0xb0: {  	[dreg:$0x4] =	wrdreg $0x9  }
0xb1: {  	_ =	task.clear_ibuf [dreg:s7], $0x5FFFF;
	_ =	strace $0x90000046  }
0xb2: {  	s29 =	simm.s32 $0x9;
	_ =	strace $0x80000048  }
0xb3: {  	_ =	swait.ge [sflag:s29], $0x1  }
0xb4: {  	[sflag:s29] =	ssyncadd.s32 $0xFFFFFFFF  }
0xb5: {  	_ =	strace $0x90000048  }
0xb6: {  	_ =	sfence  }
0xb7: {  	s30 =	sld [smem:$0x0];
	_ =	sdelay $0x2  }
0xb8: {  	s31 =	sshll.u32 s1, $0xD;
	s1 =	sshrl.u32 s1, $0x2  }
0xb9: {  	s3 =	sand.u32 $0x4000, s31;
	s1 =	sadd.s32 s1, s30  }
0xba: {  	s0 =	sor.u32 s3, s0;
	s1 =	sshll.u32 s1, $0x11  }
0xbb: {  	s0 =	sor.u32 s1, s0  }
0xbc: {  	s0 =	sadd.s32 $0x8F2B, s0  }
0xbd: {  	[sflag:s0] =	ssyncadd.remote.s32 $0x1  }
0xbe: {  	_ =	sfence.sel $0xFFFF  }
0xbf: {  	[dreg:$0x0] =	wrdreg $0xFFFFFFFF;
	(pc) =	sbr.abs _section_cstart, $3  }
0xc0: {  	[dreg:$0x1] =	wrdreg $0xFFFFFFFF  }
0xc1: {  	_ =	task.clear_ibuf [dreg:s7], $0x2FFFF;
	_ =	strace $0x9FFFFFFF  }
0xc2: {  	(tm) =	ssettm $0x7FFFFFFF  }
0xc3: {  	_ =	shalt  }
tec
execute0_lowered:
.L_overlay_start_1:
0x0: {  	(tag) =	ssettag $0x1  }
0x1: {  	s1 =	srdreg.scid  }
0x2: {  	s0 =	stileid.u32;
	s2 =	rddreg [dreg:$0x0]  }
0x3: {  	s5 =	rddreg [dreg:$0x1];
	s3 =	simm.s32 $0x0;
	s9 =	simm.s32 $0x880  }
0x4: {  	s10 =	simm.s32 $0x1080;
	s11 =	simm.s32 $0x1880;
	s12 =	simm.s32 $0x2080  }
0x5: {  	s13 =	simm.s32 $0x2880;
	s14 =	simm.s32 $0x3080;
	s15 =	simm.s32 $0x3880  }
0x6: {  	s16 =	simm.s32 $0x4080;
	s17 =	simm.s32 $0x4880;
	s18 =	simm.s32 $0x5080  }
0x7: {  	s19 =	simm.s32 $0x5880;
	s4 =	sand.u32 $0x1, s1;
	s30 =	sshll.u32 s0, $0x1  }
0x8: {  	s20 =	simm.s32 $0x1;
	s21 =	simm.s32 $0x2;
	s6 =	sor.u32 s4, s30  }
0x9: {  	s1 =	rddreg [dreg:$0x2];
	s4 =	ssub.s32 $0x2, s4;
	s7 =	smul.u32 $0xC, s6  }
0xa: {  	[smem:$0x7FF] =	sst s3;
	s6 =	smul.u32 $0xC00, s6;
	s8 =	sshrl.u32 s4, $0x1  }
0xb: {  	v2 =	vlaneseq.u32;
	_ =	strace $0x80000047;
	s31 =	ssub.s32 s4, s8;
	s8 =	simm.s32 $0x80  }
0xc: {  	vm0 =	vmmov $0xffff;
	v1 =	vshrl.u32 v2, $0x3;
	s7 =	sadd.s32 s7, s5;
	s5 =	sadd.s32 s6, s5;
	s6 =	smax.u32 s31, $0x1  }
0xd: {  	v0 =	vand.u32 $0x7, v2;
	v2 =	vor.u32 $0x8, v2;
	v1 =	vmul.u32 $0x8, v1;
	s4 =	sadd.s32 $0x1600, s7;
	s5 =	sadd.s32 $0x1800, s5;
	s7 =	simm.s32 $0x3  }
.LBB2_1:
0xe: {  	[tilespmem:s3], [sflag:$0x3] =	stream.linear.gather [hbm4b:s4+s3], $0x60, $0x38;
	[tilespmem:$0x6080] =	vst v63  }
0xf: {  	_ =	swait.ge [sflag:s7], $0x60  }
0x10: {  	[sflag:s7] =	ssyncset.done $0x0  }
0x11: {  	[sflag:s7] =	ssyncadd.s32 $0xFFFFFFA0  }
0x12: {  	v3 =	vld [tilespmem:$0x0];
	_ =	sdelay $0x4  }
0x13: {  	v4 =	vshll.u32 v3, $0x1  }
0x14: {  	v3 =	vand.u32 $0x7, v3;
	v4 =	vand.u32 $0xFFFFFFF0, v4  }
0x15: {  	v3 =	vor.u32 v3, v4  }
0x16: {  	v4 =	vperm.xlane v3, v0;
	_ =	sdelay $0x1  }
0x17: {  	v3 =	vperm.xlane v3, v2;
	v4 =	vadd.s32 v1, v4;
	_ =	sdelay $0x1  }
0x18: {  	v3 =	vadd.s32 v1, v3;
	_ =	sdelay $0x2  }
0x19: {  	[tilespmem:s8], [sflag:$0x1] =	stream.indirect_vreg.gather [hbm4b:s2+s3], $0x80, v4, vm0, $0xb8;
	[tilespmem:$0x6080] =	vst v63  }
0x1a: {  	_ = 	snop  }
0x1b: {  	[tilespmem:s9], [sflag:$0x1] =	stream.indirect_vreg.gather [hbm4b:s2+s3], $0x80, v3, vm0, $0xb8;
	[tilespmem:$0x6080] =	vst v63  }
0x1c: {  	v3 =	vld [tilespmem:$0x10];
	_ =	sdelay $0x4  }
0x1d: {  	v59 =	vshll.u32 v3, $0x1  }
0x1e: {  	v3 =	vand.u32 $0x7, v3;
	v4 =	vand.u32 $0xFFFFFFF0, v59  }
0x1f: {  	v3 =	vor.u32 v3, v4  }
0x20: {  	v4 =	vperm.xlane v3, v0;
	_ =	sdelay $0x1  }
0x21: {  	v3 =	vperm.xlane v3, v2;
	v4 =	vadd.s32 v1, v4;
	_ =	sdelay $0x1  }
0x22: {  	v3 =	vadd.s32 v1, v3;
	_ =	sdelay $0x2  }
0x23: {  	[tilespmem:s10], [sflag:$0x1] =	stream.indirect_vreg.gather [hbm4b:s2+s3], $0x80, v4, vm0, $0xb8;
	[tilespmem:$0x6080] =	vst v63  }
0x24: {  	_ = 	snop  }
0x25: {  	[tilespmem:s11], [sflag:$0x1] =	stream.indirect_vreg.gather [hbm4b:s2+s3], $0x80, v3, vm0, $0xb8;
	[tilespmem:$0x6080] =	vst v63  }
0x26: {  	v3 =	vld [tilespmem:$0x20];
	_ =	sdelay $0x4  }
0x27: {  	v60 =	vshll.u32 v3, $0x1  }
0x28: {  	v3 =	vand.u32 $0x7, v3;
	v4 =	vand.u32 $0xFFFFFFF0, v60  }
0x29: {  	v3 =	vor.u32 v3, v4  }
0x2a: {  	v4 =	vperm.xlane v3, v0;
	_ =	sdelay $0x1  }
0x2b: {  	v3 =	vperm.xlane v3, v2;
	v4 =	vadd.s32 v1, v4;
	_ =	sdelay $0x1  }
0x2c: {  	v3 =	vadd.s32 v1, v3;
	_ =	sdelay $0x2  }
0x2d: {  	[tilespmem:s12], [sflag:$0x1] =	stream.indirect_vreg.gather [hbm4b:s2+s3], $0x80, v4, vm0, $0xb8;
	[tilespmem:$0x6080] =	vst v63  }
0x2e: {  	_ = 	snop  }
0x2f: {  	[tilespmem:s13], [sflag:$0x1] =	stream.indirect_vreg.gather [hbm4b:s2+s3], $0x80, v3, vm0, $0xb8;
	[tilespmem:$0x6080] =	vst v63  }
0x30: {  	v3 =	vld [tilespmem:$0x30];
	_ =	sdelay $0x4  }
0x31: {  	v61 =	vshll.u32 v3, $0x1  }
0x32: {  	v3 =	vand.u32 $0x7, v3;
	v4 =	vand.u32 $0xFFFFFFF0, v61  }
0x33: {  	v3 =	vor.u32 v3, v4  }
0x34: {  	v4 =	vperm.xlane v3, v0;
	_ =	sdelay $0x1  }
0x35: {  	v3 =	vperm.xlane v3, v2;
	v4 =	vadd.s32 v1, v4;
	_ =	sdelay $0x1  }
0x36: {  	v3 =	vadd.s32 v1, v3;
	_ =	sdelay $0x2  }
0x37: {  	[tilespmem:s14], [sflag:$0x1] =	stream.indirect_vreg.gather [hbm4b:s2+s3], $0x80, v4, vm0, $0xb8;
	[tilespmem:$0x6080] =	vst v63  }
0x38: {  	_ = 	snop  }
0x39: {  	[tilespmem:s15], [sflag:$0x1] =	stream.indirect_vreg.gather [hbm4b:s2+s3], $0x80, v3, vm0, $0xb8;
	[tilespmem:$0x6080] =	vst v63  }
0x3a: {  	v3 =	vld [tilespmem:$0x40];
	_ =	sdelay $0x4  }
0x3b: {  	v62 =	vshll.u32 v3, $0x1  }
0x3c: {  	v3 =	vand.u32 $0x7, v3;
	v4 =	vand.u32 $0xFFFFFFF0, v62  }
0x3d: {  	v3 =	vor.u32 v3, v4  }
0x3e: {  	v4 =	vperm.xlane v3, v0;
	_ =	sdelay $0x1  }
0x3f: {  	v3 =	vperm.xlane v3, v2;
	v4 =	vadd.s32 v1, v4;
	_ =	sdelay $0x1  }
0x40: {  	v3 =	vadd.s32 v1, v3;
	_ =	sdelay $0x2  }
0x41: {  	[tilespmem:s16], [sflag:$0x1] =	stream.indirect_vreg.gather [hbm4b:s2+s3], $0x80, v4, vm0, $0xb8;
	[tilespmem:$0x6080] =	vst v63  }
0x42: {  	_ = 	snop  }
0x43: {  	[tilespmem:s17], [sflag:$0x1] =	stream.indirect_vreg.gather [hbm4b:s2+s3], $0x80, v3, vm0, $0xb8;
	[tilespmem:$0x6080] =	vst v63  }
0x44: {  	v3 =	vld [tilespmem:$0x50];
	_ =	sdelay $0x4  }
0x45: {  	v63 =	vshll.u32 v3, $0x1  }
0x46: {  	v3 =	vand.u32 $0x7, v3;
	v4 =	vand.u32 $0xFFFFFFF0, v63  }
0x47: {  	v3 =	vor.u32 v3, v4  }
0x48: {  	v4 =	vperm.xlane v3, v0;
	_ =	sdelay $0x1  }
0x49: {  	v3 =	vperm.xlane v3, v2;
	v4 =	vadd.s32 v1, v4;
	_ =	sdelay $0x1  }
0x4a: {  	v3 =	vadd.s32 v1, v3;
	_ =	sdelay $0x2  }
0x4b: {  	[tilespmem:s18], [sflag:$0x1] =	stream.indirect_vreg.gather [hbm4b:s2+s3], $0x80, v4, vm0, $0xb8;
	[tilespmem:$0x6080] =	vst v63  }
0x4c: {  	_ = 	snop  }
0x4d: {  	[tilespmem:s19], [sflag:$0x1] =	stream.indirect_vreg.gather [hbm4b:s2+s3], $0x80, v3, vm0, $0xb8;
	[tilespmem:$0x6080] =	vst v63  }
0x4e: {  	_ =	swait.ge [sflag:s20], $0x6000  }
0x4f: {  	p0 =	sne.s32 s6, $0x1;
	[sflag:s20] =	ssyncset.done $0x0  }
.Ltmp0:
0x50: {  	[sflag:s20] =	ssyncadd.s32 $0xFFFFA000;
	(pc) =	sbr.rel @p0 .LBB2_1-.Ltmp0, $4  }
0x51: {  	[hbm4b:s5+s3] =	stream.linear.scatter [tilespmem:s8], [sflag:$0x2], $0x6000, $0x38;
	[tilespmem:$0x6080] =	vst v63  }
0x52: {  	_ =	swait.ge [sflag:s21], $0x6000  }
0x53: {  	[sflag:s21] =	ssyncset.done $0x0  }
0x54: {  	s6 =	sadd.s32 $0xFFFFFFFF, s6;
	[sflag:s21] =	ssyncadd.s32 $0xFFFFA000  }
0x55: {  	_ =	sfence.sel $0x180000  }
0x56: {  	[bflag:$0x0] =	sbarrier.arrive $0xFFFF  }
0x57: {  	p0 =	sne.s32 s0, $0x0;
	_ =	strace $0x90000047  }
0x58: {  	s0 =	sadd.s32 @!p0 $0x100000, s1;
	[bflag:$0x2] =	sbarrier.arrive $0xFFFF  }
0x59: {  	[sflag:s0] =	ssyncadd.tile.s32 @!p0 $0x1;
	_ =	shalt  }
.Lfunc_end2:
_tile_overlayer_lowered:
.L_overlay_start_2:
0x5a: {  	(tag) =	ssettag $0x2  }
0x5b: {  	s0 =	rddreg [dreg:$0x0];
	s2 =	stileid.u32  }
0x5c: {  	s1 =	rddreg [dreg:$0x1];
	p0 =	sne.s32 s2, $0x0  }
0x5d: {  	s3 =	rddreg [dreg:$0x2];
	[bflag:$0x3] =	sbarrier.arrive $0xFFFF;
	s2 =	simm.s32 @!p0 $0x1C03  }
0x5e: {  	[timem:s3], [sflag:s2] =	dma.local @!p0 [hbm:s0], s1  }
0x5f: {  	s0 =	simm.s32 @!p0 $0x3  }
0x60: {  	_ =	swait.ge @!p0 [sflag:s0], s1  }
0x61: {  	s1 =	ssub.s32 @!p0 $0x0, s1;
	[sflag:s0] =	ssyncset.done @!p0 $0x0  }
0x62: {  	[sflag:s0] =	ssyncadd.s32 @!p0 s1  }
0x63: {  	[bflag:$0x3] =	sbarrier.arrive $0xFFFF  }
0x64: {  	_ =	shalt  }

</sc_bundles>
